<compile_context>
chip_gen: v7x
topology: tpu7x:2x2x1
jax: 0.10.2.dev20260603
libtpu: 0.0.44.dev20260713+nightly
codegen_flags: <defaults>
</compile_context>

<pallas_src>
import functools

import jax
import jax.numpy as jnp
from jax import lax
from jax.experimental import pallas as pl
from jax.experimental.pallas import tpu as pltpu
from jax.experimental.pallas import tpu_sc as plsc

B = 1024
D = 128
CB = 100000
H = 512
CB_TILE = 5000

_PREC = jax.lax.Precision.DEFAULT


_NTILES = CB // CB_TILE
_NSUB = 4
_SUB = CB_TILE // _NSUB


def _dist_argmin_body(codes_ref, cb_ref, idx_ref, best_val, best_idx):
    step = pl.program_id(0)
    codes = codes_ref[...]
    tile = cb_ref[...]
    m2dot = jax.lax.dot_general(
        codes, tile, (((1,), (1,)), ((), ())),
        preferred_element_type=jnp.float32, precision=_PREC)
    qsq = 0.25 * jnp.sum(codes * codes, axis=1, keepdims=True)
    csq = jnp.sum(tile * tile, axis=1)
    d2 = (qsq + m2dot) + csq[None, :]
    local_min = jnp.min(d2, axis=1, keepdims=True)
    col = jax.lax.broadcasted_iota(jnp.int32, d2.shape, 1)
    local_arg = jnp.min(
        jnp.where(d2 == local_min, col, CB_TILE),
        axis=1, keepdims=True) + step * CB_TILE

    @pl.when(step == 0)
    def _():
        best_val[...] = local_min
        best_idx[...] = local_arg

    @pl.when(step > 0)
    def _():
        bv = best_val[...]
        take = local_min < bv
        best_val[...] = jnp.where(take, local_min, bv)
        best_idx[...] = jnp.where(take, local_arg, best_idx[...])

    @pl.when(step == pl.num_programs(0) - 1)
    def _():
        idx_ref[...] = best_idx[...]


def _nearest_idx(codes, codebook):
    idx = pl.pallas_call(
        _dist_argmin_body,
        grid=(_NTILES,),
        in_specs=[
            pl.BlockSpec((B, D), lambda i: (0, 0)),
            pl.BlockSpec((CB_TILE, D), lambda i: (i, 0)),
        ],
        out_specs=pl.BlockSpec((B, 1), lambda i: (0, 0)),
        out_shape=jax.ShapeDtypeStruct((B, 1), jnp.int32),
        scratch_shapes=[
            pltpu.VMEM((B, 1), jnp.float32),
            pltpu.VMEM((B, 1), jnp.int32),
        ],
    )(codes * -2.0, codebook)
    return idx.reshape(B)


_NW = 32
_BPW = B // _NW


@functools.cache
def _sc_gather_kernel():
    def body(table_hbm, idx_hbm, out_hbm, idx_v, rows_v, sem):
        wid = lax.axis_index("s") * 2 + lax.axis_index("c")
        base = wid * _BPW
        pltpu.sync_copy(idx_hbm.at[pl.ds(base, _BPW)], idx_v)
        pltpu.async_copy(table_hbm.at[idx_v], rows_v, sem).wait()
        pltpu.sync_copy(rows_v, out_hbm.at[pl.ds(base, _BPW)])

    return pl.kernel(
        body,
        mesh=plsc.VectorSubcoreMesh(core_axis_name="c", subcore_axis_name="s"),
        out_type=jax.ShapeDtypeStruct((B, D), jnp.float32),
        scratch_types=[
            pltpu.VMEM((_BPW,), jnp.int32),
            pltpu.VMEM((_BPW, D), jnp.float32),
            pltpu.SemaphoreType.DMA,
        ],
    )


def _mlp_body(prev_ref, w1_ref, b1_ref, wu_ref, bu_ref, ws_ref, bs_ref,
              mu_ref, ls_ref):
    prev = prev_ref[...]
    h = jax.lax.dot_general(
        prev, w1_ref[...], (((1,), (1,)), ((), ())),
        preferred_element_type=jnp.float32, precision=_PREC)
    h = jnp.maximum(h + b1_ref[...], 0.0)
    mu_ref[...] = jax.lax.dot_general(
        h, wu_ref[...], (((1,), (1,)), ((), ())),
        preferred_element_type=jnp.float32, precision=_PREC) + bu_ref[...]
    ls_ref[...] = jax.lax.dot_general(
        h, ws_ref[...], (((1,), (1,)), ((), ())),
        preferred_element_type=jnp.float32, precision=_PREC) + bs_ref[...]


def _mlp(prev, W1, b1, Wu, bu, Ws, bs):
    return pl.pallas_call(
        _mlp_body,
        out_shape=(
            jax.ShapeDtypeStruct((B, D), jnp.float32),
            jax.ShapeDtypeStruct((B, D), jnp.float32),
        ),
    )(prev, W1, b1.reshape(1, H), Wu, bu.reshape(1, D), Ws, bs.reshape(1, D))


def kernel(codes, codebook, W1, b1, Wu, bu, Ws, bs):
    chosen = _nearest_idx(codes, codebook)
    prev = _sc_gather_kernel()(codebook, chosen)
    return _mlp(prev, W1, b1, Wu, bu, Ws, bs)

# --- scband reference (transcript-rebuilt; emitter-appended) ---
"""Pipeline reference for scband-slow-prior-network-25056839205621 (READ-ONLY COPY).

The authoritative reference and input builder live on the scoring server;
editing this copy changes nothing except your own understanding.
"""

import jax, jax.numpy as jnp
import numpy as np

B = 1024
CODE_LEN = 128
CODEBOOK_SIZE = 100000
K = 5
HIDDEN = 512


def setup_inputs(seed: int = 0) -> dict:
    key = jax.random.key(seed)
    ks = jax.random.split(key, 8)
    codes = jax.random.normal(ks[0], (B, CODE_LEN), dtype=jnp.float32)
    # learned / fitted state: the kNN codebook (fit_knn on randn codes in __init__)
    codebook = jax.random.normal(ks[1], (CODEBOOK_SIZE, CODE_LEN), dtype=jnp.float32)
    # fc1: Linear(code_len, 512)
    W1 = jax.random.normal(ks[2], (HIDDEN, CODE_LEN), dtype=jnp.float32) * 0.05
    b1 = jnp.zeros((HIDDEN,), dtype=jnp.float32)
    # fc2_u: Linear(512, code_len)
    Wu = jax.random.normal(ks[3], (CODE_LEN, HIDDEN), dtype=jnp.float32) * 0.05
    bu = jnp.zeros((CODE_LEN,), dtype=jnp.float32)
    # fc2_s: Linear(512, code_len)
    Ws = jax.random.normal(ks[4], (CODE_LEN, HIDDEN), dtype=jnp.float32) * 0.05
    bs = jnp.zeros((CODE_LEN,), dtype=jnp.float32)
    return {"codes": codes, "codebook": codebook, "W1": W1, "b1": b1,
            "Wu": Wu, "bu": bu, "Ws": Ws, "bs": bs}


def reference(codes, codebook, W1, b1, Wu, bu, Ws, bs):
    # pick_close_neighbor, vectorized over the batch:
    # squared-euclidean distances from each query code to every codebook row
    q_sq = jnp.sum(codes * codes, axis=1, keepdims=True)            # [B, 1]
    c_sq = jnp.sum(codebook * codebook, axis=1)                     # [CB]
    d2 = q_sq - 2.0 * (codes @ codebook.T) + c_sq[None, :]          # [B, CB]
    # KNeighborsClassifier(n_neighbors=2*k).kneighbors -> 2k nearest indices
    _, nbr_idx = jax.lax.top_k(-d2, 2 * K)                          # [B, 2K], sorted nearest-first
    # original: filter seen (empty at start), keep k closest (sorted by sq dist),
    # then random.choice among those k. Deterministic translation: pick the
    # nearest valid neighbor (index 0 of the distance-sorted candidate list).
    chosen = nbr_idx[:, 0]                                          # [B]
    prev_code = jnp.take(codebook, chosen, axis=0)                  # [B, CODE_LEN]
    # encode(prev_code)
    h1 = jax.nn.relu(prev_code @ W1.T + b1)
    mu = h1 @ Wu.T + bu
    logstd = h1 @ Ws.T + bs
    return (mu, logstd)

if __name__ == "__main__":
    import jax
    _d = setup_inputs()
    print(jax.jit(kernel)(*tuple(_d.values())))

</pallas_src>

<mosaic_0001>
#map = affine_map<(d0, d1) -> (0, 0)>
#map1 = affine_map<(d0, d1) -> (0)>
module attributes {stable_mosaic.version = 14 : i64} {
  func.func @body(%arg0: i32, %arg1: i32, %arg2: memref<100000x128xf32, #tpu.memory_space<hbm>>, %arg3: memref<1024xi32, #tpu.memory_space<hbm>>, %arg4: memref<1024x128xf32, #tpu.memory_space<hbm>>, %arg5: memref<32xi32, #tpu.memory_space<vmem>>, %arg6: memref<32x128xf32, #tpu.memory_space<vmem>>, %arg7: memref<!tpu.dma_semaphore, #tpu.memory_space<semaphore_mem>>) attributes {dimension_semantics = [#tpu.dimension_semantics<core_parallel>, #tpu.dimension_semantics<subcore_parallel>], iteration_bounds = array<i64: 2, 16>, scalar_prefetch = 0 : i64, scratch_operands = 3 : i64, tpu.core_type = #tpu.core_type<sc_vector_subcore>, window_params = [{transform_indices = #map}, {transform_indices = #map1}, {transform_indices = #map}]} {
    %mul3A = arith.constant 2 : i32
    %mul3A_0 = arith.muli %arg1, %mul3A : i32
    %add3A = arith.addi %mul3A_0, %arg0 : i32
    %mul3A_1 = arith.constant 32 : i32
    %mul3A_2 = arith.muli %add3A, %mul3A_1 : i32
    "tpu.region"() ({
      %run_scoped3A = tpu.sem_alloc : memref<!tpu.dma_semaphore, #tpu.memory_space<semaphore_mem>>
      %dma_start3A_7 = tpu.memref_slice %arg3[%mul3A_2] : memref<1024xi32, #tpu.memory_space<hbm>> -> memref<32xi32, #tpu.memory_space<hbm>>
      %dma_start3A_8 = tpu.memref_slice %arg3[%mul3A_2] : memref<1024xi32, #tpu.memory_space<hbm>> -> memref<32xi32, #tpu.memory_space<hbm>>
      tpu.enqueue_dma source(%dma_start3A_8 : memref<32xi32, #tpu.memory_space<hbm>>) target(%arg5 : memref<32xi32, #tpu.memory_space<vmem>>) target_semaphore(%run_scoped3A : memref<!tpu.dma_semaphore, #tpu.memory_space<semaphore_mem>>)
      %dma_wait3A_9 = tpu.memref_slice %arg3[%mul3A_2] : memref<1024xi32, #tpu.memory_space<hbm>> -> memref<32xi32, #tpu.memory_space<hbm>>
      %dma_wait3A_10 = tpu.memref_slice %arg3[%mul3A_2] : memref<1024xi32, #tpu.memory_space<hbm>> -> memref<32xi32, #tpu.memory_space<hbm>>
      tpu.wait_dma2 semaphore(%run_scoped3A : memref<!tpu.dma_semaphore, #tpu.memory_space<semaphore_mem>>) src(%dma_wait3A_10 : memref<32xi32, #tpu.memory_space<hbm>>) dst(%arg5 : memref<32xi32, #tpu.memory_space<vmem>>)
      tpu.yield
    }) : () -> ()
    %dma_start3A = arith.constant 0 : i32
    %dma_start3A_3 = arith.constant 0 : i32
    %dma_start3A_4 = tpu.memref_slice %arg2[%dma_start3A, %dma_start3A_3] : memref<100000x128xf32, #tpu.memory_space<hbm>> -> memref<100000x128xf32, #tpu.memory_space<hbm>>
    tpu.enqueue_indirect_dma source(%dma_start3A_4 : memref<100000x128xf32, #tpu.memory_space<hbm>>) target(%arg6 : memref<32x128xf32, #tpu.memory_space<vmem>>) offsets(%arg5 : memref<32xi32, #tpu.memory_space<vmem>>) semaphore(%arg7 : memref<!tpu.dma_semaphore, #tpu.memory_space<semaphore_mem>>)
    %dma_wait3A = arith.constant 0 : i32
    %dma_wait3A_5 = arith.constant 0 : i32
    %dma_wait3A_6 = tpu.memref_slice %arg2[%dma_wait3A, %dma_wait3A_5] : memref<100000x128xf32, #tpu.memory_space<hbm>> -> memref<100000x128xf32, #tpu.memory_space<hbm>>
    tpu.wait_indirect_dma semaphore(%arg7 : memref<!tpu.dma_semaphore, #tpu.memory_space<semaphore_mem>>) src(%dma_wait3A_6 : memref<100000x128xf32, #tpu.memory_space<hbm>>) dst(%arg6 : memref<32x128xf32, #tpu.memory_space<vmem>>)
    "tpu.region"() ({
      %run_scoped3A = tpu.sem_alloc : memref<!tpu.dma_semaphore, #tpu.memory_space<semaphore_mem>>
      %dma_start3A_7 = arith.constant 0 : i32
      %dma_start3A_8 = tpu.memref_slice %arg4[%mul3A_2, %dma_start3A_7] : memref<1024x128xf32, #tpu.memory_space<hbm>> -> memref<32x128xf32, #tpu.memory_space<hbm>>
      %dma_start3A_9 = arith.constant 0 : i32
      %dma_start3A_10 = tpu.memref_slice %arg4[%mul3A_2, %dma_start3A_9] : memref<1024x128xf32, #tpu.memory_space<hbm>> -> memref<32x128xf32, #tpu.memory_space<hbm>>
      tpu.enqueue_dma source(%arg6 : memref<32x128xf32, #tpu.memory_space<vmem>>) target(%dma_start3A_10 : memref<32x128xf32, #tpu.memory_space<hbm>>) target_semaphore(%run_scoped3A : memref<!tpu.dma_semaphore, #tpu.memory_space<semaphore_mem>>)
      %dma_wait3A_11 = arith.constant 0 : i32
      %dma_wait3A_12 = tpu.memref_slice %arg4[%mul3A_2, %dma_wait3A_11] : memref<1024x128xf32, #tpu.memory_space<hbm>> -> memref<32x128xf32, #tpu.memory_space<hbm>>
      %dma_wait3A_13 = arith.constant 0 : i32
      %dma_wait3A_14 = tpu.memref_slice %arg4[%mul3A_2, %dma_wait3A_13] : memref<1024x128xf32, #tpu.memory_space<hbm>> -> memref<32x128xf32, #tpu.memory_space<hbm>>
      tpu.wait_dma2 semaphore(%run_scoped3A : memref<!tpu.dma_semaphore, #tpu.memory_space<semaphore_mem>>) src(%arg6 : memref<32x128xf32, #tpu.memory_space<vmem>>) dst(%dma_wait3A_14 : memref<32x128xf32, #tpu.memory_space<hbm>>)
      tpu.yield
    }) : () -> ()
    return
  }
}

module attributes {stable_mosaic.version = 14 : i64} {
  func.func @_dist_argmin_body(%arg0: i32, %arg1: memref<1024x128xf32, #tpu.memory_space<vmem>>, %arg2: memref<5000x128xf32, #tpu.memory_space<vmem>>, %arg3: memref<1024x1xi32, #tpu.memory_space<vmem>>, %arg4: memref<1024x1xf32, #tpu.memory_space<vmem>>, %arg5: memref<1024x1xi32, #tpu.memory_space<vmem>>) attributes {dimension_semantics = [#tpu.dimension_semantics<arbitrary>], iteration_bounds = array<i64: 20>, scalar_prefetch = 0 : i64, scratch_operands = 2 : i64, tpu.core_type = #tpu.core_type<tc>, window_params = [{pipeline_mode = #tpu.pipeline_mode<synchronous>, transform_indices = @transform_0, window_bounds = array<i64: 1024, 128>}, {transform_indices = @transform_1, window_bounds = array<i64: 5000, 128>}, {pipeline_mode = #tpu.pipeline_mode<synchronous>, transform_indices = @transform_2, window_bounds = array<i64: 1024, 1>}]} {
    %get3A = arith.constant 0 : index
    %get3A_0 = arith.constant 0 : index
    %get3A_1 = vector.load %arg1[%get3A, %get3A_0] : memref<1024x128xf32, #tpu.memory_space<vmem>>, vector<1024x128xf32>
    %get3A_2 = arith.constant 0 : index
    %get3A_3 = arith.constant 0 : index
    %get3A_4 = vector.load %arg2[%get3A_2, %get3A_3] : memref<5000x128xf32, #tpu.memory_space<vmem>>, vector<5000x128xf32>
    %dot_general3A = arith.constant dense<0.000000e+00> : vector<1024x5000xf32>
    %dot_general3A_5 = tpu.matmul %get3A_1, %get3A_4, %dot_general3A {dimension_numbers = #tpu.dot_dimension_numbers<[1], [1], [0], [0], [0, 0, 1, 0], [], []>, transpose_lhs_hint = false} : vector<1024x128xf32>, vector<5000x128xf32>, vector<1024x5000xf32> -> vector<1024x5000xf32>
    %mul3A = arith.mulf %get3A_1, %get3A_1 : vector<1024x128xf32>
    %reduce_sum3A = arith.constant dense<0.000000e+00> : vector<1024xf32>
    %reduce_sum3A_6 = vector.multi_reduction <add>, %mul3A, %reduce_sum3A [1] : vector<1024x128xf32> to vector<1024xf32>
    %broadcast_in_dim3A = vector.shape_cast %reduce_sum3A_6 : vector<1024xf32> to vector<1024x1xf32>
    %mul3A_7 = arith.constant 2.500000e-01 : f32
    %mul3A_8 = vector.broadcast %mul3A_7 : f32 to vector<1024x1xf32>
    %mul3A_9 = arith.mulf %mul3A_8, %broadcast_in_dim3A : vector<1024x1xf32>
    %mul3A_10 = arith.mulf %get3A_4, %get3A_4 : vector<5000x128xf32>
    %reduce_sum3A_11 = arith.constant dense<0.000000e+00> : vector<5000xf32>
    %reduce_sum3A_12 = vector.multi_reduction <add>, %mul3A_10, %reduce_sum3A_11 [1] : vector<5000x128xf32> to vector<5000xf32>
    %add3A = vector.broadcast %mul3A_9 : vector<1024x1xf32> to vector<1024x5000xf32>
    %add3A_13 = arith.addf %add3A, %dot_general3A_5 : vector<1024x5000xf32>
    %broadcast_in_dim3A_14 = vector.shape_cast %reduce_sum3A_12 : vector<5000xf32> to vector<1x5000xf32>
    %add3A_15 = vector.broadcast %broadcast_in_dim3A_14 : vector<1x5000xf32> to vector<1024x5000xf32>
    %add3A_16 = arith.addf %add3A_13, %add3A_15 : vector<1024x5000xf32>
    %reduce_min3A = arith.constant dense<0x7F800000> : vector<1024xf32>
    %reduce_min3A_17 = vector.multi_reduction <minimumf>, %add3A_16, %reduce_min3A [1] : vector<1024x5000xf32> to vector<1024xf32>
    %broadcast_in_dim3A_18 = vector.shape_cast %reduce_min3A_17 : vector<1024xf32> to vector<1024x1xf32>
    %iota3A = tpu.iota {dimensions = array<i32: 1>} : vector<1024x5000xi32>
    %eq3A = vector.broadcast %broadcast_in_dim3A_18 : vector<1024x1xf32> to vector<1024x5000xf32>
    %eq3A_19 = arith.cmpf oeq, %add3A_16, %eq3A : vector<1024x5000xf32>
    %jit3A = arith.constant 5000 : i32
    %broadcast_in_dim3A_20 = vector.broadcast %jit3A : i32 to vector<1024x5000xi32>
    %select_n3A = arith.select %eq3A_19, %iota3A, %broadcast_in_dim3A_20 : vector<1024x5000xi1>, vector<1024x5000xi32>
    %reduce_min3A_21 = arith.constant dense<2147483647> : vector<1024xi32>
    %reduce_min3A_22 = vector.multi_reduction <minsi>, %select_n3A, %reduce_min3A_21 [1] : vector<1024x5000xi32> to vector<1024xi32>
    %broadcast_in_dim3A_23 = vector.shape_cast %reduce_min3A_22 : vector<1024xi32> to vector<1024x1xi32>
    %mul3A_24 = arith.constant 5000 : i32
    %mul3A_25 = arith.muli %arg0, %mul3A_24 : i32
    %add3A_26 = vector.broadcast %mul3A_25 : i32 to vector<1024x1xi32>
    %add3A_27 = arith.addi %broadcast_in_dim3A_23, %add3A_26 : vector<1024x1xi32>
    %eq3A_28 = arith.constant 0 : i32
    %eq3A_29 = arith.cmpi eq, %arg0, %eq3A_28 : i32
    %convert_element_type3A = arith.extui %eq3A_29 : i1 to i32
    %cond3A = arith.constant 0 : i32
    %cond3A_30 = arith.cmpi ne, %convert_element_type3A, %cond3A : i32
    scf.if %cond3A_30 {
      %swap3A = arith.constant 0 : index
      %swap3A_40 = arith.constant 0 : index
      %swap3A_41 = vector.load %arg4[%swap3A, %swap3A_40] : memref<1024x1xf32, #tpu.memory_space<vmem>>, vector<1024x1xf32>
      tpu.vector_store %arg4[%swap3A, %swap3A_40], %broadcast_in_dim3A_18 {strides = array<i32>} : memref<1024x1xf32, #tpu.memory_space<vmem>>, vector<1024x1xf32>,
      %swap3A_42 = arith.constant 0 : index
      %swap3A_43 = arith.constant 0 : index
      %swap3A_44 = vector.load %arg5[%swap3A_42, %swap3A_43] : memref<1024x1xi32, #tpu.memory_space<vmem>>, vector<1024x1xi32>
      tpu.vector_store %arg5[%swap3A_42, %swap3A_43], %add3A_27 {strides = array<i32>} : memref<1024x1xi32, #tpu.memory_space<vmem>>, vector<1024x1xi32>,
    } else {
    }
    %gt3A = arith.constant 0 : i32
    %gt3A_31 = arith.cmpi sgt, %arg0, %gt3A : i32
    %convert_element_type3A_32 = arith.extui %gt3A_31 : i1 to i32
    %cond3A_33 = arith.constant 0 : i32
    %cond3A_34 = arith.cmpi ne, %convert_element_type3A_32, %cond3A_33 : i32
    scf.if %cond3A_34 {
      %get3A_40 = arith.constant 0 : index
      %get3A_41 = arith.constant 0 : index
      %get3A_42 = vector.load %arg4[%get3A_40, %get3A_41] : memref<1024x1xf32, #tpu.memory_space<vmem>>, vector<1024x1xf32>
      %lt3A = arith.cmpf olt, %broadcast_in_dim3A_18, %get3A_42 : vector<1024x1xf32>
      %select_n3A_43 = arith.select %lt3A, %broadcast_in_dim3A_18, %get3A_42 : vector<1024x1xi1>, vector<1024x1xf32>
      %swap3A = arith.constant 0 : index
      %swap3A_44 = arith.constant 0 : index
      %swap3A_45 = vector.load %arg4[%swap3A, %swap3A_44] : memref<1024x1xf32, #tpu.memory_space<vmem>>, vector<1024x1xf32>
      tpu.vector_store %arg4[%swap3A, %swap3A_44], %select_n3A_43 {strides = array<i32>} : memref<1024x1xf32, #tpu.memory_space<vmem>>, vector<1024x1xf32>,
      %get3A_46 = arith.constant 0 : index
      %get3A_47 = arith.constant 0 : index
      %get3A_48 = vector.load %arg5[%get3A_46, %get3A_47] : memref<1024x1xi32, #tpu.memory_space<vmem>>, vector<1024x1xi32>
      %select_n3A_49 = arith.select %lt3A, %add3A_27, %get3A_48 : vector<1024x1xi1>, vector<1024x1xi32>
      %swap3A_50 = arith.constant 0 : index
      %swap3A_51 = arith.constant 0 : index
      %swap3A_52 = vector.load %arg5[%swap3A_50, %swap3A_51] : memref<1024x1xi32, #tpu.memory_space<vmem>>, vector<1024x1xi32>
      tpu.vector_store %arg5[%swap3A_50, %swap3A_51], %select_n3A_49 {strides = array<i32>} : memref<1024x1xi32, #tpu.memory_space<vmem>>, vector<1024x1xi32>,
    } else {
    }
    %eq3A_35 = arith.constant 19 : i32
    %eq3A_36 = arith.cmpi eq, %arg0, %eq3A_35 : i32
    %convert_element_type3A_37 = arith.extui %eq3A_36 : i1 to i32
    %cond3A_38 = arith.constant 0 : i32
    %cond3A_39 = arith.cmpi ne, %convert_element_type3A_37, %cond3A_38 : i32
    scf.if %cond3A_39 {
      %get3A_40 = arith.constant 0 : index
      %get3A_41 = arith.constant 0 : index
      %get3A_42 = vector.load %arg5[%get3A_40, %get3A_41] : memref<1024x1xi32, #tpu.memory_space<vmem>>, vector<1024x1xi32>
      %swap3A = arith.constant 0 : index
      %swap3A_43 = arith.constant 0 : index
      %swap3A_44 = vector.load %arg3[%swap3A, %swap3A_43] : memref<1024x1xi32, #tpu.memory_space<vmem>>, vector<1024x1xi32>
      tpu.vector_store %arg3[%swap3A, %swap3A_43], %get3A_42 {strides = array<i32>} : memref<1024x1xi32, #tpu.memory_space<vmem>>, vector<1024x1xi32>,
    } else {
    }
    return
  }
  func.func @transform_0(%arg0: i32) -> (i32, i32) {
    %c0_i32 = arith.constant 0 : i32
    %c0_i32_0 = arith.constant 0 : i32
    %c0_i32_1 = arith.constant 0 : i32
    return %c0_i32, %c0_i32_0 : i32, i32
  }
  func.func @transform_1(%arg0: i32) -> (i32, i32) {
    %c0_i32 = arith.constant 0 : i32
    %c0_i32_0 = arith.constant 0 : i32
    return %arg0, %c0_i32 : i32, i32
  }
  func.func @transform_2(%arg0: i32) -> (i32, i32) {
    %c0_i32 = arith.constant 0 : i32
    %c0_i32_0 = arith.constant 0 : i32
    %c0_i32_1 = arith.constant 0 : i32
    return %c0_i32, %c0_i32_0 : i32, i32
  }
}

module attributes {stable_mosaic.version = 14 : i64} {
  func.func @_mlp_body(%arg0: memref<1024x128xf32, #tpu.memory_space<vmem>>, %arg1: memref<512x128xf32, #tpu.memory_space<vmem>>, %arg2: memref<1x512xf32, #tpu.memory_space<vmem>>, %arg3: memref<128x512xf32, #tpu.memory_space<vmem>>, %arg4: memref<1x128xf32, #tpu.memory_space<vmem>>, %arg5: memref<128x512xf32, #tpu.memory_space<vmem>>, %arg6: memref<1x128xf32, #tpu.memory_space<vmem>>, %arg7: memref<1024x128xf32, #tpu.memory_space<vmem>>, %arg8: memref<1024x128xf32, #tpu.memory_space<vmem>>) attributes {dimension_semantics = [], scalar_prefetch = 0 : i64, scratch_operands = 0 : i64, tpu.core_type = #tpu.core_type<tc>} {
    %get3A = arith.constant 0 : index
    %get3A_0 = arith.constant 0 : index
    %get3A_1 = vector.load %arg0[%get3A, %get3A_0] : memref<1024x128xf32, #tpu.memory_space<vmem>>, vector<1024x128xf32>
    %get3A_2 = arith.constant 0 : index
    %get3A_3 = arith.constant 0 : index
    %get3A_4 = vector.load %arg1[%get3A_2, %get3A_3] : memref<512x128xf32, #tpu.memory_space<vmem>>, vector<512x128xf32>
    %dot_general3A = arith.constant dense<0.000000e+00> : vector<1024x512xf32>
    %dot_general3A_5 = tpu.matmul %get3A_1, %get3A_4, %dot_general3A {dimension_numbers = #tpu.dot_dimension_numbers<[1], [1], [0], [0], [0, 0, 1, 0], [], []>, transpose_lhs_hint = false} : vector<1024x128xf32>, vector<512x128xf32>, vector<1024x512xf32> -> vector<1024x512xf32>
    %get3A_6 = arith.constant 0 : index
    %get3A_7 = arith.constant 0 : index
    %get3A_8 = vector.load %arg2[%get3A_6, %get3A_7] : memref<1x512xf32, #tpu.memory_space<vmem>>, vector<1x512xf32>
    %add3A = vector.broadcast %get3A_8 : vector<1x512xf32> to vector<1024x512xf32>
    %add3A_9 = arith.addf %dot_general3A_5, %add3A : vector<1024x512xf32>
    %max3A = arith.constant 0.000000e+00 : f32
    %max3A_10 = vector.broadcast %max3A : f32 to vector<1024x512xf32>
    %max3A_11 = arith.maximumf %add3A_9, %max3A_10 : vector<1024x512xf32>
    %get3A_12 = arith.constant 0 : index
    %get3A_13 = arith.constant 0 : index
    %get3A_14 = vector.load %arg3[%get3A_12, %get3A_13] : memref<128x512xf32, #tpu.memory_space<vmem>>, vector<128x512xf32>
    %dot_general3A_15 = arith.constant dense<0.000000e+00> : vector<1024x128xf32>
    %dot_general3A_16 = tpu.matmul %max3A_11, %get3A_14, %dot_general3A_15 {dimension_numbers = #tpu.dot_dimension_numbers<[1], [1], [0], [0], [0, 0, 1, 0], [], []>, transpose_lhs_hint = false} : vector<1024x512xf32>, vector<128x512xf32>, vector<1024x128xf32> -> vector<1024x128xf32>
    %get3A_17 = arith.constant 0 : index
    %get3A_18 = arith.constant 0 : index
    %get3A_19 = vector.load %arg4[%get3A_17, %get3A_18] : memref<1x128xf32, #tpu.memory_space<vmem>>, vector<1x128xf32>
    %add3A_20 = vector.broadcast %get3A_19 : vector<1x128xf32> to vector<1024x128xf32>
    %add3A_21 = arith.addf %dot_general3A_16, %add3A_20 : vector<1024x128xf32>
    %swap3A = arith.constant 0 : index
    %swap3A_22 = arith.constant 0 : index
    %swap3A_23 = vector.load %arg7[%swap3A, %swap3A_22] : memref<1024x128xf32, #tpu.memory_space<vmem>>, vector<1024x128xf32>
    tpu.vector_store %arg7[%swap3A, %swap3A_22], %add3A_21 {strides = array<i32>} : memref<1024x128xf32, #tpu.memory_space<vmem>>, vector<1024x128xf32>,
    %get3A_24 = arith.constant 0 : index
    %get3A_25 = arith.constant 0 : index
    %get3A_26 = vector.load %arg5[%get3A_24, %get3A_25] : memref<128x512xf32, #tpu.memory_space<vmem>>, vector<128x512xf32>
    %dot_general3A_27 = arith.constant dense<0.000000e+00> : vector<1024x128xf32>
    %dot_general3A_28 = tpu.matmul %max3A_11, %get3A_26, %dot_general3A_27 {dimension_numbers = #tpu.dot_dimension_numbers<[1], [1], [0], [0], [0, 0, 1, 0], [], []>, transpose_lhs_hint = false} : vector<1024x512xf32>, vector<128x512xf32>, vector<1024x128xf32> -> vector<1024x128xf32>
    %get3A_29 = arith.constant 0 : index
    %get3A_30 = arith.constant 0 : index
    %get3A_31 = vector.load %arg6[%get3A_29, %get3A_30] : memref<1x128xf32, #tpu.memory_space<vmem>>, vector<1x128xf32>
    %add3A_32 = vector.broadcast %get3A_31 : vector<1x128xf32> to vector<1024x128xf32>
    %add3A_33 = arith.addf %dot_general3A_28, %add3A_32 : vector<1024x128xf32>
    %swap3A_34 = arith.constant 0 : index
    %swap3A_35 = arith.constant 0 : index
    %swap3A_36 = vector.load %arg8[%swap3A_34, %swap3A_35] : memref<1024x128xf32, #tpu.memory_space<vmem>>, vector<1024x128xf32>
    tpu.vector_store %arg8[%swap3A_34, %swap3A_35], %add3A_33 {strides = array<i32>} : memref<1024x128xf32, #tpu.memory_space<vmem>>, vector<1024x128xf32>,
    return
  }
}

</mosaic_0001>

<sc_bundles>
// kernel: kernel.5.cloned.1.call-start
scs
__scs_entry_jumppad:
0x0: {  	(pc) =	sbr.rel $0x88, $3  }
0x1: {  	(tag) =	ssettag $0x0;
	lr =	simm.s32 $0x1  }
0x2: {  	[smem:$0x3F99] =	sst lr;
	_ =	strace $0xD0000000  }
0x3: {  	_ = 	snop  }
0x4: {  	_ = 	snop  }
0x5: {  	_ = 	snop  }
0x6: {  	_ = 	snop  }
0x7: {  	_ = 	snop  }
__scs_overlays_trampoline_lowered:
0x8: {  	[smem:$0x3FA8] =	sst s0  }
0x9: {  	[smem:$0x3FA9] =	sst s1  }
0xa: {  	[smem:$0x3FAA] =	sst s2  }
0xb: {  	[smem:$0x3FAB] =	sst s3  }
0xc: {  	[smem:$0x3FAC] =	sst s4  }
0xd: {  	[smem:$0x3FAD] =	sst s5  }
0xe: {  	[smem:$0x3FAE] =	sst s6  }
0xf: {  	[smem:$0x3FAF] =	sst s7  }
0x10: {  	[smem:$0x3FB0] =	sst s8  }
0x11: {  	[smem:$0x3FB1] =	sst s9;
	s0 =	simm.s32 @!p0 $0x0  }
0x12: {  	s1 =	sld [smem:$0x3F97];
	s0 =	simm.s32 @p0 $0x1  }
0x13: {  	[smem:$0x3FB2] =	sst s0;
	s0 =	simm.s32 @!p1 $0x0  }
0x14: {  	s2 =	sld [smem:$0x3F96];
	s0 =	simm.s32 @p1 $0x1  }
0x15: {  	[smem:$0x3FB3] =	sst s0;
	s0 =	simm.s32 @!p2 $0x0  }
0x16: {  	s3 =	sld [smem:$0x3FDB];
	s0 =	simm.s32 @p2 $0x1  }
0x17: {  	s4 =	simm.s32 $0x1BF5;
	[smem:$0x3FB5] =	sst s0  }
0x18: {  	s0 =	sld [smem:$0x3F98];
	_ =	swait.ge [sflag:s4], $0x0  }
0x19: {  	s7 =	sld [smem:$0x3F99]  }
0x1a: {  	s8 =	sadd.s32 $0xFFFFE003, lr  }
0x1b: {  	s9 =	sadd.s32 $0xFFFFFEF7, lr;
	s5 =	simm.s32 $0xFFFFFFFF;
	p2 =	slt.u32 s8, $0xFFFFF086  }
0x1c: {  	p1 =	slt.u32 s9, $0xF7A;
	s5 =	simm.s32 @!p2 $0x0  }
0x1d: {  	s5 =	simm.s32 @p1 $0x1;
	p0 =	seq.s32 s7, s2  }
0x1e: {  	s7 =	smul.u32 @!p0 $0xF7A, s2;
	p2 =	seq.s32 @!p0 s5, $0x0  }
0x1f: {  	s9 =	smul.u32 $0xF7A, s1;
	s8 =	simm.s32 @!p0 $0x1BF5;
	p2 =	por !p2, p0  }
0x20: {  	[sflag:s8] =	ssyncset.s32 @!p0 $0xFFFFF086;
	s6 =	sadd.s32 @!p0 s3, s7;
	s7 =	simm.s32 @!p0 $0x108  }
0x21: {  	s3 =	sadd.s32 s3, s9;
	s6 =	sadd.s32 @!p0 $0x88, s6;
	s7 =	simm.s32 @p2 $0x1082  }
0x22: {  	[simem:s7], [sflag:s8] =	dma.local @!p0 [hbm:s6], $0xF7A  }
0x23: {  	s9 =	sor.u32 $0xD0000000, s2;
	s6 =	simm.s32 $0x108;
	_ =	swait.ge @!p0 [sflag:s8], $0x0  }
0x24: {  	s3 =	sadd.s32 $0x88, s3;
	s6 =	simm.s32 @!p1 $0x1082;
	[sflag:s4] =	ssyncset.s32 $0xFFFFF086  }
0x25: {  	[simem:s6], [sflag:s4] =	dma.local [hbm:s3], $0xF7A  }
0x26: {  	[smem:$0x3F99] =	sst s1;
	(tag) =	ssettag s2;
	_ =	strace s9  }
0x27: {  	s1 =	sld [smem:$0x3FA9]  }
0x28: {  	s2 =	sld [smem:$0x3FAA]  }
0x29: {  	s4 =	sld [smem:$0x3FAC]  }
0x2a: {  	p0 =	seq.s32 s5, $0x0;
	s5 =	sld [smem:$0x3FAD]  }
0x2b: {  	s6 =	sld [smem:$0x3FAE]  }
0x2c: {  	s7 =	sld [smem:$0x3FAF]  }
0x2d: {  	s3 =	simm.s32 $0x108;
	s8 =	sld [smem:$0x3FB0]  }
0x2e: {  	s3 =	simm.s32 @!p0 $0x1082;
	s9 =	sld [smem:$0x3FB1]  }
0x2f: {  	lr =	sadd.s32 s0, s3;
	s0 =	sld [smem:$0x3FA8]  }
0x30: {  	s3 =	sld [smem:$0x3FAB]  }
0x31: {  	[smem:$0x3FB4] =	sst s10  }
0x32: {  	s10 =	sld [smem:$0x3FB2];
	_ =	sdelay $0x3  }
0x33: {  	p0 =	seq.s32 s10, $0x1;
	s10 =	sld [smem:$0x3FB4];
	_ =	sdelay $0x3  }
0x34: {  	[smem:$0x3FB4] =	sst s10  }
0x35: {  	s10 =	sld [smem:$0x3FB3];
	_ =	sdelay $0x3  }
0x36: {  	p1 =	seq.s32 s10, $0x1;
	s10 =	sld [smem:$0x3FB4];
	_ =	sdelay $0x3  }
0x37: {  	[smem:$0x3FB4] =	sst s10  }
0x38: {  	s10 =	sld [smem:$0x3FB5]  }
0x39: {  	_ = 	snop;
	(pc) =	sbr.ind lr, $3  }
0x3a: {  	_ = 	snop  }
0x3b: {  	_ = 	snop  }
0x3c: {  	p2 =	seq.s32 s10, $0x1;
	s10 =	sld [smem:$0x3FB4]  }
0x3d: {  	_ =	shalt  }
0x3e: {  	_ =	shalt  }
0x3f: {  	_ =	shalt  }
0x40: {  	_ =	shalt  }
0x41: {  	_ =	shalt  }
0x42: {  	_ =	shalt  }
0x43: {  	_ =	shalt  }
0x44: {  	_ =	shalt  }
0x45: {  	_ =	shalt  }
0x46: {  	_ =	shalt  }
0x47: {  	_ =	shalt  }
0x48: {  	_ =	shalt  }
0x49: {  	_ =	shalt  }
0x4a: {  	_ =	shalt  }
0x4b: {  	_ =	shalt  }
0x4c: {  	_ =	shalt  }
0x4d: {  	_ =	shalt  }
0x4e: {  	_ =	shalt  }
0x4f: {  	_ =	shalt  }
0x50: {  	_ =	shalt  }
0x51: {  	_ =	shalt  }
0x52: {  	_ =	shalt  }
0x53: {  	_ =	shalt  }
0x54: {  	_ =	shalt  }
0x55: {  	_ =	shalt  }
0x56: {  	_ =	shalt  }
0x57: {  	_ =	shalt  }
0x58: {  	_ =	shalt  }
0x59: {  	_ =	shalt  }
0x5a: {  	_ =	shalt  }
0x5b: {  	_ =	shalt  }
0x5c: {  	_ =	shalt  }
0x5d: {  	_ =	shalt  }
0x5e: {  	_ =	shalt  }
0x5f: {  	_ =	shalt  }
0x60: {  	_ =	shalt  }
0x61: {  	_ =	shalt  }
0x62: {  	_ =	shalt  }
0x63: {  	_ =	shalt  }
0x64: {  	_ =	shalt  }
0x65: {  	_ =	shalt  }
0x66: {  	_ =	shalt  }
0x67: {  	_ =	shalt  }
0x68: {  	_ =	shalt  }
0x69: {  	_ =	shalt  }
0x6a: {  	_ =	shalt  }
0x6b: {  	_ =	shalt  }
0x6c: {  	_ =	shalt  }
0x6d: {  	_ =	shalt  }
0x6e: {  	_ =	shalt  }
0x6f: {  	_ =	shalt  }
0x70: {  	_ =	shalt  }
0x71: {  	_ =	shalt  }
0x72: {  	_ =	shalt  }
0x73: {  	_ =	shalt  }
0x74: {  	_ =	shalt  }
0x75: {  	_ =	shalt  }
0x76: {  	_ =	shalt  }
0x77: {  	_ =	shalt  }
0x78: {  	_ =	shalt  }
0x79: {  	_ =	shalt  }
0x7a: {  	_ =	shalt  }
0x7b: {  	_ =	shalt  }
0x7c: {  	_ =	shalt  }
0x7d: {  	_ =	shalt  }
0x7e: {  	_ =	shalt  }
0x7f: {  	_ =	shalt  }
0x80: {  	_ =	shalt  }
0x81: {  	_ =	shalt  }
0x82: {  	_ =	shalt  }
0x83: {  	_ =	shalt  }
0x84: {  	_ =	shalt  }
0x85: {  	_ =	shalt  }
0x86: {  	_ =	shalt  }
0x87: {  	_ =	shalt  }
.Lfunc_end0:
.L_simem_size_0:
called_computation_lowered:
.L_overlay_start_0:
0x88: {  	s2 =	sld [smem:$0x3FD9]  }
0x89: {  	s3 =	sld [smem:$0x3FFE];
	_ =	sdelay $0x1  }
0x8a: {  	s1 =	srdreg.scid  }
0x8b: {  	s0 =	sand.u32 $0x1, s1  }
0x8c: {  	s15 =	sshll.u32 s0, $0xA;
	s2 =	sadd.s32 s3, s2  }
0x8d: {  	s2 =	sadd.s32 s2, s15  }
0x8e: {  	[smem:$0x3FC0] =	sst s2  }
0x8f: {  	_ = 	snop  }
0x90: {  	s2 =	sld [smem:$0x3FD0];
	_ =	sdelay $0x2  }
0x91: {  	s4 =	simm.s32 $0xA;
	s5 =	simm.s32 $0x10;
	s16 =	sld [smem:$0x3FC8]  }
0x92: {  	[smem:s5], [sflag:s4] =	dma.local [hbm:s2], $0x1  }
0x93: {  	_ =	swait.eq [sflag:s4], $0x1  }
0x94: {  	[sflag:s4] =	ssyncset.done $0x0  }
0x95: {  	s17 =	sld [smem:$0x10];
	[sflag:s4] =	ssyncadd.s32 $0xFFFFFFFF  }
0x96: {  	s18 =	sld [smem:$0x11];
	(tm) =	ssettm $0x1  }
0x97: {  	s19 =	sld [smem:$0x3FFB];
	_ =	sdelay $0x3  }
0x98: {  	_ =	strace s19  }
0x99: {  	s5 =	sld [smem:$0x3FFC];
	_ =	sdelay $0x3  }
0x9a: {  	_ =	strace s5  }
0x9b: {  	s5 =	sld [smem:$0x3FFD];
	_ =	sdelay $0x3  }
0x9c: {  	_ =	strace s5  }
0x9d: {  	_ =	strace $0x8FFFFFFF  }
0x9e: {  	s20 =	sld [smem:$0x3FDB];
	_ =	sdelay $0x1  }
0x9f: {  	s6 =	simm.s32 $_scs_section_size  }
0xa0: {  	s7 =	simm.s32 $_size__tile_overlayer_lowered;
	s8 =	simm.s32 $_tile_overlayer_lowered  }
0xa1: {  	s23 =	simm.s32 $0x1BFF;
	s22 =	sshll.u32 s8, $0x1;
	s5 =	sadd.s32 s6, s20  }
0xa2: {  	s9 =	simm.s32 $0x0;
	s21 =	sshll.u32 s7, $0x1;
	s7 =	sadd.s32 s22, s5  }
0xa3: {  	[timem:s9], [sflag:s23] =	dma.local [hbm:s7], s21  }
0xa4: {  	_ =	swait.ge [sflag:s23], s21  }
0xa5: {  	s6 =	ssub.s32 $0x0, s21;
	[sflag:s23] =	ssyncset.done $0x0  }
0xa6: {  	[sflag:s23] =	ssyncadd.s32 s6;
	_ =	sdelay $0x1  }
0xa7: {  	s24 =	simm.s32 $0x1B8B  }
0xa8: {  	_ =	swait.ge [sflag:s24], $0x1  }
0xa9: {  	[sflag:s24] =	ssyncset.done $0x0  }
0xaa: {  	s25 =	simm.s32 $0x1B8E;
	[sflag:s24] =	ssyncadd.s32 $0xFFFFFFFF  }
0xab: {  	s26 =	simm.s32 $execute0_lowered;
	[smem:$0x3FD2] =	sst s25  }
0xac: {  	s6 =	sshll.u32 s26, $0x1;
	_ =	strace $0x80000046;
	[dreg:$0x1] =	wrdreg $0xFFFFFFFF  }
0xad: {  	s28 =	simm.s32 $_size_execute0_lowered;
	s5 =	sadd.s32 s5, s6;
	[dreg:$0x0] =	wrdreg $0x0  }
0xae: {  	s6 =	sshll.u32 s28, $0x1;
	[dreg:$0x2] =	wrdreg s5  }
0xaf: {  	[dreg:$0x3] =	wrdreg s6  }
0xb0: {  	[dreg:$0x4] =	wrdreg $0xC0  }
0xb1: {  	_ =	task [dreg:s9], $0x5FFFF  }
0xb2: {  	[dreg:$0x1] =	wrdreg $0xFFFFFFFF  }
0xb3: {  	[dreg:$0x0] =	wrdreg $0x60  }
0xb4: {  	[dreg:$0x2] =	wrdreg s16  }
0xb5: {  	[dreg:$0x3] =	wrdreg s17  }
0xb6: {  	[dreg:$0x4] =	wrdreg s18  }
0xb7: {  	[dreg:$0x5] =	wrdreg $0x9  }
0xb8: {  	_ =	task.clear_ibuf [dreg:s9], $0x6FFFF;
	_ =	strace $0x90000046  }
0xb9: {  	s29 =	simm.s32 $0x9;
	_ =	strace $0x80000048  }
0xba: {  	_ =	swait.ge [sflag:s29], $0x1  }
0xbb: {  	[sflag:s29] =	ssyncadd.s32 $0xFFFFFFFF  }
0xbc: {  	_ =	strace $0x90000048  }
0xbd: {  	_ =	sfence  }
0xbe: {  	s30 =	sld [smem:$0x0];
	_ =	sdelay $0x2  }
0xbf: {  	s31 =	sshll.u32 s1, $0xD;
	s1 =	sshrl.u32 s1, $0x2  }
0xc0: {  	s3 =	sand.u32 $0x4000, s31;
	s1 =	sadd.s32 s1, s30  }
0xc1: {  	s0 =	sor.u32 s3, s0;
	s1 =	sshll.u32 s1, $0x11  }
0xc2: {  	s0 =	sor.u32 s1, s0  }
0xc3: {  	s0 =	sadd.s32 $0x8F2B, s0  }
0xc4: {  	[sflag:s0] =	ssyncadd.remote.s32 $0x1  }
0xc5: {  	_ =	sfence.sel $0xFFFF  }
0xc6: {  	[dreg:$0x0] =	wrdreg $0xFFFFFFFF;
	(pc) =	sbr.abs _section_cstart, $3  }
0xc7: {  	[dreg:$0x1] =	wrdreg $0xFFFFFFFF  }
0xc8: {  	_ =	task.clear_ibuf [dreg:s9], $0x2FFFF;
	_ =	strace $0x9FFFFFFF  }
0xc9: {  	(tm) =	ssettm $0x7FFFFFFF  }
tec
execute0_lowered:
.L_overlay_start_1:
0x0: {  	(tag) =	ssettag $0x1  }
0x1: {  	s1 =	rddreg [dreg:$0x0]  }
0x2: {  	s2 =	srdreg.scid;
	s4 =	rddreg [dreg:$0x1]  }
0x3: {  	s0 =	stileid.u32;
	s9 =	rddreg [dreg:$0x2];
	s6 =	sand.u32 $0x1, s2  }
0x4: {  	s3 =	simm.s32 $0x0;
	s5 =	sshll.u32 s0, $0x6;
	s7 =	sshll.u32 s6, $0x5  }
0x5: {  	[smem:$0x7FF] =	sst s3;
	s10 =	sor.u32 s7, s5  }
0x6: {  	s2 =	rddreg [dreg:$0x3];
	_ =	strace $0x80000047;
	s5 =	sshrl.u32 s10, $0x3  }
0x7: {  	s11 =	ssub.s32 $0x2, s6;
	s5 =	sadd.s32 s4, s5;
	s4 =	simm.s32 $0x2  }
0x8: {  	[tilespmem:s3], [sflag:$0x2] =	stream.linear.gather [hbm4b:s5+s3], $0x20, $0x38;
	[tilespmem:$0x1080] =	vst v63  }
0x9: {  	s8 =	simm.s32 $0x1;
	s12 =	sshrl.u32 s11, $0x1;
	_ =	swait.ge [sflag:s4], $0x20  }
0xa: {  	s6 =	simm.s32 $0x20;
	s11 =	ssub.s32 s11, s12;
	[sflag:s4] =	ssyncset.done $0x0  }
0xb: {  	s7 =	simm.s32 $0x80;
	s31 =	smax.u32 s11, $0x1;
	[sflag:s4] =	ssyncadd.s32 $0xFFFFFFE0  }
0xc: {  	[tilespmem:s7], [sflag:$0x1] =	stream.indirect.gather [hbm4b:s1+s6], $0x80, s3, s6, $0xb8;
	[tilespmem:$0x1080] =	vst v63  }
0xd: {  	p0 =	sne.s32 s31, $0x1;
	_ =	swait.ge [sflag:s8], $0x1000  }
.Ltmp0:
0xe: {  	s10 =	sshll.u32 s10, $0x4;
	[sflag:s8] =	ssyncset.done $0x0;
	(pc) =	sbr.rel @!p0 .LBB2_2-.Ltmp0, $4  }
0xf: {  	s9 =	sadd.s32 s9, s10;
	[sflag:s8] =	ssyncadd.s32 $0xFFFFF000  }
0x10: {  	[hbm4b:s9+s3] =	stream.linear.scatter [tilespmem:s7], [sflag:$0x2], $0x1000, $0x38;
	[tilespmem:$0x1080] =	vst v63  }
0x11: {  	_ =	swait.ge [sflag:s4], $0x1000  }
0x12: {  	s10 =	sadd.s32 $0xFFFFFFFF, s31;
	[sflag:s4] =	ssyncset.done $0x0  }
.LBB2_1:
0x13: {  	p0 =	sne.s32 s10, $0x1;
	s10 =	sadd.s32 $0xFFFFFFFF, s10;
	[sflag:s4] =	ssyncadd.s32 $0xFFFFF000  }
0x14: {  	[tilespmem:s3], [sflag:$0x2] =	stream.linear.gather [hbm4b:s5+s3], $0x20, $0x38;
	[tilespmem:$0x1080] =	vst v63  }
0x15: {  	_ =	swait.ge [sflag:s4], $0x20  }
0x16: {  	[sflag:s4] =	ssyncset.done $0x0  }
0x17: {  	[sflag:s4] =	ssyncadd.s32 $0xFFFFFFE0  }
0x18: {  	[tilespmem:s7], [sflag:$0x1] =	stream.indirect.gather [hbm4b:s1+s6], $0x80, s3, s6, $0xb8;
	[tilespmem:$0x1080] =	vst v63  }
0x19: {  	_ =	swait.ge [sflag:s8], $0x1000  }
.Ltmp1:
0x1a: {  	[sflag:s8] =	ssyncset.done $0x0;
	(pc) =	sbr.rel @p0 .LBB2_1-.Ltmp1, $4  }
0x1b: {  	[sflag:s8] =	ssyncadd.s32 $0xFFFFF000  }
0x1c: {  	[hbm4b:s9+s3] =	stream.linear.scatter [tilespmem:s7], [sflag:$0x2], $0x1000, $0x38;
	[tilespmem:$0x1080] =	vst v63  }
0x1d: {  	_ =	swait.ge [sflag:s4], $0x1000  }
0x1e: {  	[sflag:s4] =	ssyncset.done $0x0  }
.LBB2_2:
0x1f: {  	[sflag:s4] =	ssyncadd.s32 $0xFFFFF000  }
0x20: {  	_ =	sfence.sel $0x180000  }
0x21: {  	[bflag:$0x0] =	sbarrier.arrive $0xFFFF  }
0x22: {  	p0 =	sne.s32 s0, $0x0;
	_ =	strace $0x90000047  }
0x23: {  	s0 =	sadd.s32 @!p0 $0x100000, s2;
	[bflag:$0x2] =	sbarrier.arrive $0xFFFF  }
0x24: {  	[sflag:s0] =	ssyncadd.tile.s32 @!p0 $0x1;
	_ =	shalt  }
.Lfunc_end2:
_tile_overlayer_lowered:
.L_overlay_start_2:
0x25: {  	(tag) =	ssettag $0x2  }
0x26: {  	s0 =	rddreg [dreg:$0x0];
	s2 =	stileid.u32  }
0x27: {  	s1 =	rddreg [dreg:$0x1];
	p0 =	sne.s32 s2, $0x0  }
0x28: {  	s3 =	rddreg [dreg:$0x2];
	[bflag:$0x3] =	sbarrier.arrive $0xFFFF;
	s2 =	simm.s32 @!p0 $0x1C02  }
0x29: {  	[timem:s3], [sflag:s2] =	dma.local @!p0 [hbm:s0], s1  }
0x2a: {  	s0 =	simm.s32 @!p0 $0x2  }
0x2b: {  	_ =	swait.ge @!p0 [sflag:s0], s1  }
0x2c: {  	s1 =	ssub.s32 @!p0 $0x0, s1;
	[sflag:s0] =	ssyncset.done @!p0 $0x0  }
0x2d: {  	[sflag:s0] =	ssyncadd.s32 @!p0 s1  }
0x2e: {  	[bflag:$0x3] =	sbarrier.arrive $0xFFFF  }
0x2f: {  	_ =	shalt  }

</sc_bundles>
